<compile_context>
chip_gen: v7x
topology: tpu7x:2x2x1
jax: 0.10.2.dev20260603
libtpu: 0.0.44.dev20260713+nightly
codegen_flags: <defaults>
</compile_context>

<pallas_src>
import functools

import jax
import jax.numpy as jnp
from jax import lax
from jax.experimental import pallas as pl
from jax.experimental.pallas import tpu as pltpu
from jax.experimental.pallas import tpu_sc as plsc

NUM_COUPLES = 100000
EMBED_DIM = 128
BATCH = 16384

_IDX_CHUNK = 128


@functools.lru_cache(maxsize=None)
def _make_gather(batch: int, dim: int):
    info = plsc.get_sparse_core_info()
    num_workers = info.num_cores * info.num_subcores
    b_per_w = batch // num_workers
    assert batch % (8 * num_workers) == 0
    n_chunks = b_per_w // _IDX_CHUNK
    assert b_per_w % _IDX_CHUNK == 0
    mesh = plsc.VectorSubcoreMesh(core_axis_name="c", subcore_axis_name="s")

    @functools.partial(
        pl.kernel,
        mesh=mesh,
        out_type=jax.ShapeDtypeStruct((batch, dim), jnp.float32),
        scratch_types=[
            pltpu.VMEM((b_per_w,), jnp.int32),
            pltpu.VMEM((b_per_w, dim), jnp.float32),
        ]
        + [pltpu.SemaphoreType.DMA] * (batch // num_workers // _IDX_CHUNK)
        + [pltpu.SemaphoreType.DMA],
    )
    def gather(table_hbm, idx_hbm, out_hbm, idx_v, rows_v, *sems):
        gsems, sem_s = sems[:-1], sems[-1]
        wid = lax.axis_index("s") * info.num_cores + lax.axis_index("c")
        base = wid * b_per_w
        pltpu.sync_copy(idx_hbm.at[pl.ds(base, b_per_w)], idx_v)
        gathers = []
        for j in range(n_chunks):
            off = j * _IDX_CHUNK
            gathers.append(
                pltpu.async_copy(
                    table_hbm.at[idx_v.at[pl.ds(off, _IDX_CHUNK)]],
                    rows_v.at[pl.ds(off, _IDX_CHUNK)],
                    gsems[j],
                )
            )
        scatters = []
        for j in range(n_chunks):
            off = j * _IDX_CHUNK
            gathers[j].wait()
            scatters.append(
                pltpu.async_copy(
                    rows_v.at[pl.ds(off, _IDX_CHUNK)],
                    out_hbm.at[pl.ds(base + off, _IDX_CHUNK)],
                    sem_s,
                )
            )
        for c in scatters:
            c.wait()

    return gather


def _mlp_half(x, w1, b1, w2, b2, w3):
    h = jnp.dot(x, w1, preferred_element_type=jnp.float32)
    h = jnp.maximum(h + b1, 0.0)
    h = jnp.dot(h, w2, preferred_element_type=jnp.float32)
    h = jnp.maximum(h + b2, 0.0)
    z = jnp.dot(h, w3, preferred_element_type=jnp.float32)
    block = z.shape[0]
    row = lax.broadcasted_iota(jnp.int32, (block, 128), 0)
    col = lax.broadcasted_iota(jnp.int32, (block, 128), 1)
    d = jnp.where((row & 127) == col, z, 0.0)
    return jnp.sum(d.reshape(block // 128, 128, 128), axis=1)


def _mlp_body(ea_ref, eb_ref, w1_ref, b1_ref, w2_ref, b2_ref, w3_ref, b3_ref, out_ref):
    w1 = w1_ref[...]
    b1 = b1_ref[...]
    w2 = w2_ref[...]
    b2 = b2_ref[...]
    w3 = w3_ref[...]
    b3 = b3_ref[...]
    for k, ref in enumerate((ea_ref, eb_ref)):
        zk = _mlp_half(ref[...], w1, b1, w2, b2, w3)
        q = zk.shape[0]
        out_ref[k * q : (k + 1) * q, :] = 1.0 / (1.0 + jnp.exp(-(zk + b3)))


def _mlp(embeddings, W1, b1, W2, b2, W3, b3):
    batch = embeddings.shape[0]
    block = 8192
    half = block // 2
    grid = (batch // block,)
    out = pl.pallas_call(
        _mlp_body,
        grid=grid,
        in_specs=[
            pl.BlockSpec((half, EMBED_DIM), lambda i: (2 * i, 0)),
            pl.BlockSpec((half, EMBED_DIM), lambda i: (2 * i + 1, 0)),
            pl.BlockSpec((EMBED_DIM, 64), lambda i: (0, 0)),
            pl.BlockSpec((1, 64), lambda i: (0, 0)),
            pl.BlockSpec((64, 32), lambda i: (0, 0)),
            pl.BlockSpec((1, 32), lambda i: (0, 0)),
            pl.BlockSpec((32, 1), lambda i: (0, 0)),
            pl.BlockSpec((1, 1), lambda i: (0, 0)),
        ],
        out_specs=pl.BlockSpec((block // 128, 128), lambda i: (i, 0)),
        out_shape=jax.ShapeDtypeStruct((batch // 128, 128), jnp.float32),
    )(
        embeddings,
        embeddings,
        W1,
        b1.reshape(1, 64),
        W2,
        b2.reshape(1, 32),
        W3,
        b3.reshape(1, 1),
    )
    return out.reshape(batch, 1)


def kernel(table, W1, b1, W2, b2, W3, b3, couple_ids):
    idx = couple_ids.astype(jnp.int32)
    embeddings = _make_gather(BATCH, EMBED_DIM)(table, idx)
    x = _mlp(embeddings, W1, b1, W2, b2, W3, b3)
    return (x, embeddings)

# --- scband reference (transcript-rebuilt; emitter-appended) ---
"""Pipeline reference for scband-couple-embedding-model-41223096107641 (READ-ONLY COPY).

The authoritative reference and input builder live on the scoring server;
editing this copy changes nothing except your own understanding.
"""

import jax, jax.numpy as jnp
import numpy as np

NUM_COUPLES = 100000
EMBED_DIM = 128
BATCH = 16384

def setup_inputs(seed: int = 0) -> dict:
    key = jax.random.key(seed)
    k_ids, k_tab, k1, k2, k3, kb1, kb2, kb3 = jax.random.split(key, 8)
    couple_ids = jax.random.randint(k_ids, (BATCH,), 0, NUM_COUPLES, dtype=jnp.int64 if jax.config.jax_enable_x64 else jnp.int32)
    table = jax.random.normal(k_tab, (NUM_COUPLES, EMBED_DIM), dtype=jnp.float32)
    # Linear layers: PyTorch nn.Linear stores weight [out, in]; use [in, out] here for x @ W
    W1 = jax.random.normal(k1, (EMBED_DIM, 64), dtype=jnp.float32) * (1.0 / np.sqrt(EMBED_DIM))
    b1 = jax.random.normal(kb1, (64,), dtype=jnp.float32) * 0.01
    W2 = jax.random.normal(k2, (64, 32), dtype=jnp.float32) * (1.0 / np.sqrt(64))
    b2 = jax.random.normal(kb2, (32,), dtype=jnp.float32) * 0.01
    W3 = jax.random.normal(k3, (32, 1), dtype=jnp.float32) * (1.0 / np.sqrt(32))
    b3 = jax.random.normal(kb3, (1,), dtype=jnp.float32) * 0.01
    return {"table": table, "W1": W1, "b1": b1, "W2": W2, "b2": b2, "W3": W3, "b3": b3, "couple_ids": couple_ids}

def reference(table, W1, b1, W2, b2, W3, b3, couple_ids):
    embeddings = jnp.take(table, couple_ids, axis=0)
    x = jax.nn.relu(embeddings @ W1 + b1)
    x = jax.nn.relu(x @ W2 + b2)
    x = jax.nn.sigmoid(x @ W3 + b3)
    return (x, embeddings)

if __name__ == "__main__":
    import jax
    _d = setup_inputs()
    print(jax.jit(kernel)(*tuple(_d.values())))

</pallas_src>

<mosaic_0001>
#map = affine_map<(d0, d1) -> (0, 0)>
#map1 = affine_map<(d0, d1) -> (0)>
module attributes {stable_mosaic.version = 14 : i64} {
  func.func @gather(%arg0: i32, %arg1: i32, %arg2: memref<100000x128xf32, #tpu.memory_space<hbm>>, %arg3: memref<16384xi32, #tpu.memory_space<hbm>>, %arg4: memref<16384x128xf32, #tpu.memory_space<hbm>>, %arg5: memref<512xi32, #tpu.memory_space<vmem>>, %arg6: memref<512x128xf32, #tpu.memory_space<vmem>>, %arg7: memref<!tpu.dma_semaphore, #tpu.memory_space<semaphore_mem>>, %arg8: memref<!tpu.dma_semaphore, #tpu.memory_space<semaphore_mem>>, %arg9: memref<!tpu.dma_semaphore, #tpu.memory_space<semaphore_mem>>, %arg10: memref<!tpu.dma_semaphore, #tpu.memory_space<semaphore_mem>>, %arg11: memref<!tpu.dma_semaphore, #tpu.memory_space<semaphore_mem>>) attributes {dimension_semantics = [#tpu.dimension_semantics<core_parallel>, #tpu.dimension_semantics<subcore_parallel>], iteration_bounds = array<i64: 2, 16>, scalar_prefetch = 0 : i64, scratch_operands = 7 : i64, tpu.core_type = #tpu.core_type<sc_vector_subcore>, window_params = [{transform_indices = #map}, {transform_indices = #map1}, {transform_indices = #map}]} {
    %mul3A = arith.constant 2 : i32
    %mul3A_0 = arith.muli %arg1, %mul3A : i32
    %add3A = arith.addi %mul3A_0, %arg0 : i32
    %mul3A_1 = arith.constant 512 : i32
    %mul3A_2 = arith.muli %add3A, %mul3A_1 : i32
    "tpu.region"() ({
      %run_scoped3A = tpu.sem_alloc : memref<!tpu.dma_semaphore, #tpu.memory_space<semaphore_mem>>
      %dma_start3A_153 = tpu.memref_slice %arg3[%mul3A_2] : memref<16384xi32, #tpu.memory_space<hbm>> -> memref<512xi32, #tpu.memory_space<hbm>>
      %dma_start3A_154 = tpu.memref_slice %arg3[%mul3A_2] : memref<16384xi32, #tpu.memory_space<hbm>> -> memref<512xi32, #tpu.memory_space<hbm>>
      tpu.enqueue_dma source(%dma_start3A_154 : memref<512xi32, #tpu.memory_space<hbm>>) target(%arg5 : memref<512xi32, #tpu.memory_space<vmem>>) target_semaphore(%run_scoped3A : memref<!tpu.dma_semaphore, #tpu.memory_space<semaphore_mem>>)
      %dma_wait3A_155 = tpu.memref_slice %arg3[%mul3A_2] : memref<16384xi32, #tpu.memory_space<hbm>> -> memref<512xi32, #tpu.memory_space<hbm>>
      %dma_wait3A_156 = tpu.memref_slice %arg3[%mul3A_2] : memref<16384xi32, #tpu.memory_space<hbm>> -> memref<512xi32, #tpu.memory_space<hbm>>
      tpu.wait_dma2 semaphore(%run_scoped3A : memref<!tpu.dma_semaphore, #tpu.memory_space<semaphore_mem>>) src(%dma_wait3A_156 : memref<512xi32, #tpu.memory_space<hbm>>) dst(%arg5 : memref<512xi32, #tpu.memory_space<vmem>>)
      tpu.yield
    }) : () -> ()
    %dma_start3A = arith.constant 0 : i32
    %dma_start3A_3 = arith.constant 0 : i32
    %dma_start3A_4 = tpu.memref_slice %arg6[%dma_start3A, %dma_start3A_3] : memref<512x128xf32, #tpu.memory_space<vmem>> -> memref<128x128xf32, #tpu.memory_space<vmem>>
    %dma_start3A_5 = arith.constant 0 : i32
    %dma_start3A_6 = tpu.memref_slice %arg5[%dma_start3A_5] : memref<512xi32, #tpu.memory_space<vmem>> -> memref<128xi32, #tpu.memory_space<vmem>>
    %dma_start3A_7 = arith.constant 0 : i32
    %dma_start3A_8 = arith.constant 0 : i32
    %dma_start3A_9 = tpu.memref_slice %arg2[%dma_start3A_7, %dma_start3A_8] : memref<100000x128xf32, #tpu.memory_space<hbm>> -> memref<100000x128xf32, #tpu.memory_space<hbm>>
    tpu.enqueue_indirect_dma source(%dma_start3A_9 : memref<100000x128xf32, #tpu.memory_space<hbm>>) target(%dma_start3A_4 : memref<128x128xf32, #tpu.memory_space<vmem>>) offsets(%dma_start3A_6 : memref<128xi32, #tpu.memory_space<vmem>>) semaphore(%arg7 : memref<!tpu.dma_semaphore, #tpu.memory_space<semaphore_mem>>)
    %dma_start3A_10 = arith.constant 128 : i32
    %dma_start3A_11 = arith.constant 0 : i32
    %dma_start3A_12 = tpu.memref_slice %arg6[%dma_start3A_10, %dma_start3A_11] : memref<512x128xf32, #tpu.memory_space<vmem>> -> memref<128x128xf32, #tpu.memory_space<vmem>>
    %dma_start3A_13 = arith.constant 128 : i32
    %dma_start3A_14 = tpu.memref_slice %arg5[%dma_start3A_13] : memref<512xi32, #tpu.memory_space<vmem>> -> memref<128xi32, #tpu.memory_space<vmem>>
    %dma_start3A_15 = arith.constant 0 : i32
    %dma_start3A_16 = arith.constant 0 : i32
    %dma_start3A_17 = tpu.memref_slice %arg2[%dma_start3A_15, %dma_start3A_16] : memref<100000x128xf32, #tpu.memory_space<hbm>> -> memref<100000x128xf32, #tpu.memory_space<hbm>>
    tpu.enqueue_indirect_dma source(%dma_start3A_17 : memref<100000x128xf32, #tpu.memory_space<hbm>>) target(%dma_start3A_12 : memref<128x128xf32, #tpu.memory_space<vmem>>) offsets(%dma_start3A_14 : memref<128xi32, #tpu.memory_space<vmem>>) semaphore(%arg8 : memref<!tpu.dma_semaphore, #tpu.memory_space<semaphore_mem>>)
    %dma_start3A_18 = arith.constant 256 : i32
    %dma_start3A_19 = arith.constant 0 : i32
    %dma_start3A_20 = tpu.memref_slice %arg6[%dma_start3A_18, %dma_start3A_19] : memref<512x128xf32, #tpu.memory_space<vmem>> -> memref<128x128xf32, #tpu.memory_space<vmem>>
    %dma_start3A_21 = arith.constant 256 : i32
    %dma_start3A_22 = tpu.memref_slice %arg5[%dma_start3A_21] : memref<512xi32, #tpu.memory_space<vmem>> -> memref<128xi32, #tpu.memory_space<vmem>>
    %dma_start3A_23 = arith.constant 0 : i32
    %dma_start3A_24 = arith.constant 0 : i32
    %dma_start3A_25 = tpu.memref_slice %arg2[%dma_start3A_23, %dma_start3A_24] : memref<100000x128xf32, #tpu.memory_space<hbm>> -> memref<100000x128xf32, #tpu.memory_space<hbm>>
    tpu.enqueue_indirect_dma source(%dma_start3A_25 : memref<100000x128xf32, #tpu.memory_space<hbm>>) target(%dma_start3A_20 : memref<128x128xf32, #tpu.memory_space<vmem>>) offsets(%dma_start3A_22 : memref<128xi32, #tpu.memory_space<vmem>>) semaphore(%arg9 : memref<!tpu.dma_semaphore, #tpu.memory_space<semaphore_mem>>)
    %dma_start3A_26 = arith.constant 384 : i32
    %dma_start3A_27 = arith.constant 0 : i32
    %dma_start3A_28 = tpu.memref_slice %arg6[%dma_start3A_26, %dma_start3A_27] : memref<512x128xf32, #tpu.memory_space<vmem>> -> memref<128x128xf32, #tpu.memory_space<vmem>>
    %dma_start3A_29 = arith.constant 384 : i32
    %dma_start3A_30 = tpu.memref_slice %arg5[%dma_start3A_29] : memref<512xi32, #tpu.memory_space<vmem>> -> memref<128xi32, #tpu.memory_space<vmem>>
    %dma_start3A_31 = arith.constant 0 : i32
    %dma_start3A_32 = arith.constant 0 : i32
    %dma_start3A_33 = tpu.memref_slice %arg2[%dma_start3A_31, %dma_start3A_32] : memref<100000x128xf32, #tpu.memory_space<hbm>> -> memref<100000x128xf32, #tpu.memory_space<hbm>>
    tpu.enqueue_indirect_dma source(%dma_start3A_33 : memref<100000x128xf32, #tpu.memory_space<hbm>>) target(%dma_start3A_28 : memref<128x128xf32, #tpu.memory_space<vmem>>) offsets(%dma_start3A_30 : memref<128xi32, #tpu.memory_space<vmem>>) semaphore(%arg10 : memref<!tpu.dma_semaphore, #tpu.memory_space<semaphore_mem>>)
    %dma_wait3A = arith.constant 0 : i32
    %dma_wait3A_34 = arith.constant 0 : i32
    %dma_wait3A_35 = tpu.memref_slice %arg6[%dma_wait3A, %dma_wait3A_34] : memref<512x128xf32, #tpu.memory_space<vmem>> -> memref<128x128xf32, #tpu.memory_space<vmem>>
    %dma_wait3A_36 = arith.constant 0 : i32
    %dma_wait3A_37 = tpu.memref_slice %arg5[%dma_wait3A_36] : memref<512xi32, #tpu.memory_space<vmem>> -> memref<128xi32, #tpu.memory_space<vmem>>
    %dma_wait3A_38 = arith.constant 0 : i32
    %dma_wait3A_39 = arith.constant 0 : i32
    %dma_wait3A_40 = tpu.memref_slice %arg2[%dma_wait3A_38, %dma_wait3A_39] : memref<100000x128xf32, #tpu.memory_space<hbm>> -> memref<100000x128xf32, #tpu.memory_space<hbm>>
    tpu.wait_indirect_dma semaphore(%arg7 : memref<!tpu.dma_semaphore, #tpu.memory_space<semaphore_mem>>) src(%dma_wait3A_40 : memref<100000x128xf32, #tpu.memory_space<hbm>>) dst(%dma_wait3A_35 : memref<128x128xf32, #tpu.memory_space<vmem>>)
    %add3A_41 = arith.constant 0 : i32
    %add3A_42 = arith.addi %mul3A_2, %add3A_41 : i32
    %dma_start3A_43 = arith.constant 0 : i32
    %dma_start3A_44 = arith.constant 0 : i32
    %dma_start3A_45 = tpu.memref_slice %arg6[%dma_start3A_43, %dma_start3A_44] : memref<512x128xf32, #tpu.memory_space<vmem>> -> memref<128x128xf32, #tpu.memory_space<vmem>>
    %dma_start3A_46 = arith.constant 0 : i32
    %dma_start3A_47 = tpu.memref_slice %arg4[%add3A_42, %dma_start3A_46] : memref<16384x128xf32, #tpu.memory_space<hbm>> -> memref<128x128xf32, #tpu.memory_space<hbm>>
    %dma_start3A_48 = arith.constant 0 : i32
    %dma_start3A_49 = tpu.memref_slice %arg4[%add3A_42, %dma_start3A_48] : memref<16384x128xf32, #tpu.memory_space<hbm>> -> memref<128x128xf32, #tpu.memory_space<hbm>>
    %dma_start3A_50 = arith.constant 0 : i32
    %dma_start3A_51 = arith.constant 0 : i32
    %dma_start3A_52 = tpu.memref_slice %arg6[%dma_start3A_50, %dma_start3A_51] : memref<512x128xf32, #tpu.memory_space<vmem>> -> memref<128x128xf32, #tpu.memory_space<vmem>>
    tpu.enqueue_dma source(%dma_start3A_52 : memref<128x128xf32, #tpu.memory_space<vmem>>) target(%dma_start3A_49 : memref<128x128xf32, #tpu.memory_space<hbm>>) target_semaphore(%arg11 : memref<!tpu.dma_semaphore, #tpu.memory_space<semaphore_mem>>)
    %dma_wait3A_53 = arith.constant 128 : i32
    %dma_wait3A_54 = arith.constant 0 : i32
    %dma_wait3A_55 = tpu.memref_slice %arg6[%dma_wait3A_53, %dma_wait3A_54] : memref<512x128xf32, #tpu.memory_space<vmem>> -> memref<128x128xf32, #tpu.memory_space<vmem>>
    %dma_wait3A_56 = arith.constant 128 : i32
    %dma_wait3A_57 = tpu.memref_slice %arg5[%dma_wait3A_56] : memref<512xi32, #tpu.memory_space<vmem>> -> memref<128xi32, #tpu.memory_space<vmem>>
    %dma_wait3A_58 = arith.constant 0 : i32
    %dma_wait3A_59 = arith.constant 0 : i32
    %dma_wait3A_60 = tpu.memref_slice %arg2[%dma_wait3A_58, %dma_wait3A_59] : memref<100000x128xf32, #tpu.memory_space<hbm>> -> memref<100000x128xf32, #tpu.memory_space<hbm>>
    tpu.wait_indirect_dma semaphore(%arg8 : memref<!tpu.dma_semaphore, #tpu.memory_space<semaphore_mem>>) src(%dma_wait3A_60 : memref<100000x128xf32, #tpu.memory_space<hbm>>) dst(%dma_wait3A_55 : memref<128x128xf32, #tpu.memory_space<vmem>>)
    %add3A_61 = arith.constant 128 : i32
    %add3A_62 = arith.addi %mul3A_2, %add3A_61 : i32
    %dma_start3A_63 = arith.constant 128 : i32
    %dma_start3A_64 = arith.constant 0 : i32
    %dma_start3A_65 = tpu.memref_slice %arg6[%dma_start3A_63, %dma_start3A_64] : memref<512x128xf32, #tpu.memory_space<vmem>> -> memref<128x128xf32, #tpu.memory_space<vmem>>
    %dma_start3A_66 = arith.constant 0 : i32
    %dma_start3A_67 = tpu.memref_slice %arg4[%add3A_62, %dma_start3A_66] : memref<16384x128xf32, #tpu.memory_space<hbm>> -> memref<128x128xf32, #tpu.memory_space<hbm>>
    %dma_start3A_68 = arith.constant 0 : i32
    %dma_start3A_69 = tpu.memref_slice %arg4[%add3A_62, %dma_start3A_68] : memref<16384x128xf32, #tpu.memory_space<hbm>> -> memref<128x128xf32, #tpu.memory_space<hbm>>
    %dma_start3A_70 = arith.constant 128 : i32
    %dma_start3A_71 = arith.constant 0 : i32
    %dma_start3A_72 = tpu.memref_slice %arg6[%dma_start3A_70, %dma_start3A_71] : memref<512x128xf32, #tpu.memory_space<vmem>> -> memref<128x128xf32, #tpu.memory_space<vmem>>
    tpu.enqueue_dma source(%dma_start3A_72 : memref<128x128xf32, #tpu.memory_space<vmem>>) target(%dma_start3A_69 : memref<128x128xf32, #tpu.memory_space<hbm>>) target_semaphore(%arg11 : memref<!tpu.dma_semaphore, #tpu.memory_space<semaphore_mem>>)
    %dma_wait3A_73 = arith.constant 256 : i32
    %dma_wait3A_74 = arith.constant 0 : i32
    %dma_wait3A_75 = tpu.memref_slice %arg6[%dma_wait3A_73, %dma_wait3A_74] : memref<512x128xf32, #tpu.memory_space<vmem>> -> memref<128x128xf32, #tpu.memory_space<vmem>>
    %dma_wait3A_76 = arith.constant 256 : i32
    %dma_wait3A_77 = tpu.memref_slice %arg5[%dma_wait3A_76] : memref<512xi32, #tpu.memory_space<vmem>> -> memref<128xi32, #tpu.memory_space<vmem>>
    %dma_wait3A_78 = arith.constant 0 : i32
    %dma_wait3A_79 = arith.constant 0 : i32
    %dma_wait3A_80 = tpu.memref_slice %arg2[%dma_wait3A_78, %dma_wait3A_79] : memref<100000x128xf32, #tpu.memory_space<hbm>> -> memref<100000x128xf32, #tpu.memory_space<hbm>>
    tpu.wait_indirect_dma semaphore(%arg9 : memref<!tpu.dma_semaphore, #tpu.memory_space<semaphore_mem>>) src(%dma_wait3A_80 : memref<100000x128xf32, #tpu.memory_space<hbm>>) dst(%dma_wait3A_75 : memref<128x128xf32, #tpu.memory_space<vmem>>)
    %add3A_81 = arith.constant 256 : i32
    %add3A_82 = arith.addi %mul3A_2, %add3A_81 : i32
    %dma_start3A_83 = arith.constant 256 : i32
    %dma_start3A_84 = arith.constant 0 : i32
    %dma_start3A_85 = tpu.memref_slice %arg6[%dma_start3A_83, %dma_start3A_84] : memref<512x128xf32, #tpu.memory_space<vmem>> -> memref<128x128xf32, #tpu.memory_space<vmem>>
    %dma_start3A_86 = arith.constant 0 : i32
    %dma_start3A_87 = tpu.memref_slice %arg4[%add3A_82, %dma_start3A_86] : memref<16384x128xf32, #tpu.memory_space<hbm>> -> memref<128x128xf32, #tpu.memory_space<hbm>>
    %dma_start3A_88 = arith.constant 0 : i32
    %dma_start3A_89 = tpu.memref_slice %arg4[%add3A_82, %dma_start3A_88] : memref<16384x128xf32, #tpu.memory_space<hbm>> -> memref<128x128xf32, #tpu.memory_space<hbm>>
    %dma_start3A_90 = arith.constant 256 : i32
    %dma_start3A_91 = arith.constant 0 : i32
    %dma_start3A_92 = tpu.memref_slice %arg6[%dma_start3A_90, %dma_start3A_91] : memref<512x128xf32, #tpu.memory_space<vmem>> -> memref<128x128xf32, #tpu.memory_space<vmem>>
    tpu.enqueue_dma source(%dma_start3A_92 : memref<128x128xf32, #tpu.memory_space<vmem>>) target(%dma_start3A_89 : memref<128x128xf32, #tpu.memory_space<hbm>>) target_semaphore(%arg11 : memref<!tpu.dma_semaphore, #tpu.memory_space<semaphore_mem>>)
    %dma_wait3A_93 = arith.constant 384 : i32
    %dma_wait3A_94 = arith.constant 0 : i32
    %dma_wait3A_95 = tpu.memref_slice %arg6[%dma_wait3A_93, %dma_wait3A_94] : memref<512x128xf32, #tpu.memory_space<vmem>> -> memref<128x128xf32, #tpu.memory_space<vmem>>
    %dma_wait3A_96 = arith.constant 384 : i32
    %dma_wait3A_97 = tpu.memref_slice %arg5[%dma_wait3A_96] : memref<512xi32, #tpu.memory_space<vmem>> -> memref<128xi32, #tpu.memory_space<vmem>>
    %dma_wait3A_98 = arith.constant 0 : i32
    %dma_wait3A_99 = arith.constant 0 : i32
    %dma_wait3A_100 = tpu.memref_slice %arg2[%dma_wait3A_98, %dma_wait3A_99] : memref<100000x128xf32, #tpu.memory_space<hbm>> -> memref<100000x128xf32, #tpu.memory_space<hbm>>
    tpu.wait_indirect_dma semaphore(%arg10 : memref<!tpu.dma_semaphore, #tpu.memory_space<semaphore_mem>>) src(%dma_wait3A_100 : memref<100000x128xf32, #tpu.memory_space<hbm>>) dst(%dma_wait3A_95 : memref<128x128xf32, #tpu.memory_space<vmem>>)
    %add3A_101 = arith.constant 384 : i32
    %add3A_102 = arith.addi %mul3A_2, %add3A_101 : i32
    %dma_start3A_103 = arith.constant 384 : i32
    %dma_start3A_104 = arith.constant 0 : i32
    %dma_start3A_105 = tpu.memref_slice %arg6[%dma_start3A_103, %dma_start3A_104] : memref<512x128xf32, #tpu.memory_space<vmem>> -> memref<128x128xf32, #tpu.memory_space<vmem>>
    %dma_start3A_106 = arith.constant 0 : i32
    %dma_start3A_107 = tpu.memref_slice %arg4[%add3A_102, %dma_start3A_106] : memref<16384x128xf32, #tpu.memory_space<hbm>> -> memref<128x128xf32, #tpu.memory_space<hbm>>
    %dma_start3A_108 = arith.constant 0 : i32
    %dma_start3A_109 = tpu.memref_slice %arg4[%add3A_102, %dma_start3A_108] : memref<16384x128xf32, #tpu.memory_space<hbm>> -> memref<128x128xf32, #tpu.memory_space<hbm>>
    %dma_start3A_110 = arith.constant 384 : i32
    %dma_start3A_111 = arith.constant 0 : i32
    %dma_start3A_112 = tpu.memref_slice %arg6[%dma_start3A_110, %dma_start3A_111] : memref<512x128xf32, #tpu.memory_space<vmem>> -> memref<128x128xf32, #tpu.memory_space<vmem>>
    tpu.enqueue_dma source(%dma_start3A_112 : memref<128x128xf32, #tpu.memory_space<vmem>>) target(%dma_start3A_109 : memref<128x128xf32, #tpu.memory_space<hbm>>) target_semaphore(%arg11 : memref<!tpu.dma_semaphore, #tpu.memory_space<semaphore_mem>>)
    %dma_wait3A_113 = arith.constant 0 : i32
    %dma_wait3A_114 = arith.constant 0 : i32
    %dma_wait3A_115 = tpu.memref_slice %arg6[%dma_wait3A_113, %dma_wait3A_114] : memref<512x128xf32, #tpu.memory_space<vmem>> -> memref<128x128xf32, #tpu.memory_space<vmem>>
    %dma_wait3A_116 = arith.constant 0 : i32
    %dma_wait3A_117 = tpu.memref_slice %arg4[%add3A_42, %dma_wait3A_116] : memref<16384x128xf32, #tpu.memory_space<hbm>> -> memref<128x128xf32, #tpu.memory_space<hbm>>
    %dma_wait3A_118 = arith.constant 0 : i32
    %dma_wait3A_119 = tpu.memref_slice %arg4[%add3A_42, %dma_wait3A_118] : memref<16384x128xf32, #tpu.memory_space<hbm>> -> memref<128x128xf32, #tpu.memory_space<hbm>>
    %dma_wait3A_120 = arith.constant 0 : i32
    %dma_wait3A_121 = arith.constant 0 : i32
    %dma_wait3A_122 = tpu.memref_slice %arg6[%dma_wait3A_120, %dma_wait3A_121] : memref<512x128xf32, #tpu.memory_space<vmem>> -> memref<128x128xf32, #tpu.memory_space<vmem>>
    tpu.wait_dma2 semaphore(%arg11 : memref<!tpu.dma_semaphore, #tpu.memory_space<semaphore_mem>>) src(%dma_wait3A_122 : memref<128x128xf32, #tpu.memory_space<vmem>>) dst(%dma_wait3A_119 : memref<128x128xf32, #tpu.memory_space<hbm>>)
    %dma_wait3A_123 = arith.constant 128 : i32
    %dma_wait3A_124 = arith.constant 0 : i32
    %dma_wait3A_125 = tpu.memref_slice %arg6[%dma_wait3A_123, %dma_wait3A_124] : memref<512x128xf32, #tpu.memory_space<vmem>> -> memref<128x128xf32, #tpu.memory_space<vmem>>
    %dma_wait3A_126 = arith.constant 0 : i32
    %dma_wait3A_127 = tpu.memref_slice %arg4[%add3A_62, %dma_wait3A_126] : memref<16384x128xf32, #tpu.memory_space<hbm>> -> memref<128x128xf32, #tpu.memory_space<hbm>>
    %dma_wait3A_128 = arith.constant 0 : i32
    %dma_wait3A_129 = tpu.memref_slice %arg4[%add3A_62, %dma_wait3A_128] : memref<16384x128xf32, #tpu.memory_space<hbm>> -> memref<128x128xf32, #tpu.memory_space<hbm>>
    %dma_wait3A_130 = arith.constant 128 : i32
    %dma_wait3A_131 = arith.constant 0 : i32
    %dma_wait3A_132 = tpu.memref_slice %arg6[%dma_wait3A_130, %dma_wait3A_131] : memref<512x128xf32, #tpu.memory_space<vmem>> -> memref<128x128xf32, #tpu.memory_space<vmem>>
    tpu.wait_dma2 semaphore(%arg11 : memref<!tpu.dma_semaphore, #tpu.memory_space<semaphore_mem>>) src(%dma_wait3A_132 : memref<128x128xf32, #tpu.memory_space<vmem>>) dst(%dma_wait3A_129 : memref<128x128xf32, #tpu.memory_space<hbm>>)
    %dma_wait3A_133 = arith.constant 256 : i32
    %dma_wait3A_134 = arith.constant 0 : i32
    %dma_wait3A_135 = tpu.memref_slice %arg6[%dma_wait3A_133, %dma_wait3A_134] : memref<512x128xf32, #tpu.memory_space<vmem>> -> memref<128x128xf32, #tpu.memory_space<vmem>>
    %dma_wait3A_136 = arith.constant 0 : i32
    %dma_wait3A_137 = tpu.memref_slice %arg4[%add3A_82, %dma_wait3A_136] : memref<16384x128xf32, #tpu.memory_space<hbm>> -> memref<128x128xf32, #tpu.memory_space<hbm>>
    %dma_wait3A_138 = arith.constant 0 : i32
    %dma_wait3A_139 = tpu.memref_slice %arg4[%add3A_82, %dma_wait3A_138] : memref<16384x128xf32, #tpu.memory_space<hbm>> -> memref<128x128xf32, #tpu.memory_space<hbm>>
    %dma_wait3A_140 = arith.constant 256 : i32
    %dma_wait3A_141 = arith.constant 0 : i32
    %dma_wait3A_142 = tpu.memref_slice %arg6[%dma_wait3A_140, %dma_wait3A_141] : memref<512x128xf32, #tpu.memory_space<vmem>> -> memref<128x128xf32, #tpu.memory_space<vmem>>
    tpu.wait_dma2 semaphore(%arg11 : memref<!tpu.dma_semaphore, #tpu.memory_space<semaphore_mem>>) src(%dma_wait3A_142 : memref<128x128xf32, #tpu.memory_space<vmem>>) dst(%dma_wait3A_139 : memref<128x128xf32, #tpu.memory_space<hbm>>)
    %dma_wait3A_143 = arith.constant 384 : i32
    %dma_wait3A_144 = arith.constant 0 : i32
    %dma_wait3A_145 = tpu.memref_slice %arg6[%dma_wait3A_143, %dma_wait3A_144] : memref<512x128xf32, #tpu.memory_space<vmem>> -> memref<128x128xf32, #tpu.memory_space<vmem>>
    %dma_wait3A_146 = arith.constant 0 : i32
    %dma_wait3A_147 = tpu.memref_slice %arg4[%add3A_102, %dma_wait3A_146] : memref<16384x128xf32, #tpu.memory_space<hbm>> -> memref<128x128xf32, #tpu.memory_space<hbm>>
    %dma_wait3A_148 = arith.constant 0 : i32
    %dma_wait3A_149 = tpu.memref_slice %arg4[%add3A_102, %dma_wait3A_148] : memref<16384x128xf32, #tpu.memory_space<hbm>> -> memref<128x128xf32, #tpu.memory_space<hbm>>
    %dma_wait3A_150 = arith.constant 384 : i32
    %dma_wait3A_151 = arith.constant 0 : i32
    %dma_wait3A_152 = tpu.memref_slice %arg6[%dma_wait3A_150, %dma_wait3A_151] : memref<512x128xf32, #tpu.memory_space<vmem>> -> memref<128x128xf32, #tpu.memory_space<vmem>>
    tpu.wait_dma2 semaphore(%arg11 : memref<!tpu.dma_semaphore, #tpu.memory_space<semaphore_mem>>) src(%dma_wait3A_152 : memref<128x128xf32, #tpu.memory_space<vmem>>) dst(%dma_wait3A_149 : memref<128x128xf32, #tpu.memory_space<hbm>>)
    return
  }
}

module attributes {stable_mosaic.version = 14 : i64} {
  func.func @_mlp_body(%arg0: i32, %arg1: memref<4096x128xf32, #tpu.memory_space<vmem>>, %arg2: memref<4096x128xf32, #tpu.memory_space<vmem>>, %arg3: memref<128x64xf32, #tpu.memory_space<vmem>>, %arg4: memref<1x64xf32, #tpu.memory_space<vmem>>, %arg5: memref<64x32xf32, #tpu.memory_space<vmem>>, %arg6: memref<1x32xf32, #tpu.memory_space<vmem>>, %arg7: memref<32x1xf32, #tpu.memory_space<vmem>>, %arg8: memref<1x1xf32, #tpu.memory_space<vmem>>, %arg9: memref<64x128xf32, #tpu.memory_space<vmem>>) attributes {dimension_semantics = [#tpu.dimension_semantics<arbitrary>], iteration_bounds = array<i64: 2>, scalar_prefetch = 0 : i64, scratch_operands = 0 : i64, tpu.core_type = #tpu.core_type<tc>, window_params = [{transform_indices = @transform_0, window_bounds = array<i64: 4096, 128>}, {transform_indices = @transform_1, window_bounds = array<i64: 4096, 128>}, {pipeline_mode = #tpu.pipeline_mode<synchronous>, transform_indices = @transform_2, window_bounds = array<i64: 128, 64>}, {pipeline_mode = #tpu.pipeline_mode<synchronous>, transform_indices = @transform_3, window_bounds = array<i64: 1, 64>}, {pipeline_mode = #tpu.pipeline_mode<synchronous>, transform_indices = @transform_4, window_bounds = array<i64: 64, 32>}, {pipeline_mode = #tpu.pipeline_mode<synchronous>, transform_indices = @transform_5, window_bounds = array<i64: 1, 32>}, {pipeline_mode = #tpu.pipeline_mode<synchronous>, transform_indices = @transform_6, window_bounds = array<i64: 32, 1>}, {pipeline_mode = #tpu.pipeline_mode<synchronous>, transform_indices = @transform_7, window_bounds = array<i64: 1, 1>}, {transform_indices = @transform_8, window_bounds = array<i64: 64, 128>}]} {
    %get3A = arith.constant 0 : index
    %get3A_0 = arith.constant 0 : index
    %get3A_1 = vector.load %arg3[%get3A, %get3A_0] : memref<128x64xf32, #tpu.memory_space<vmem>>, vector<128x64xf32>
    %get3A_2 = arith.constant 0 : index
    %get3A_3 = arith.constant 0 : index
    %get3A_4 = vector.load %arg4[%get3A_2, %get3A_3] : memref<1x64xf32, #tpu.memory_space<vmem>>, vector<1x64xf32>
    %get3A_5 = arith.constant 0 : index
    %get3A_6 = arith.constant 0 : index
    %get3A_7 = vector.load %arg5[%get3A_5, %get3A_6] : memref<64x32xf32, #tpu.memory_space<vmem>>, vector<64x32xf32>
    %get3A_8 = arith.constant 0 : index
    %get3A_9 = arith.constant 0 : index
    %get3A_10 = vector.load %arg6[%get3A_8, %get3A_9] : memref<1x32xf32, #tpu.memory_space<vmem>>, vector<1x32xf32>
    %get3A_11 = arith.constant 0 : index
    %get3A_12 = arith.constant 0 : index
    %get3A_13 = vector.load %arg7[%get3A_11, %get3A_12] : memref<32x1xf32, #tpu.memory_space<vmem>>, vector<32x1xf32>
    %get3A_14 = arith.constant 0 : index
    %get3A_15 = arith.constant 0 : index
    %get3A_16 = vector.load %arg8[%get3A_14, %get3A_15] : memref<1x1xf32, #tpu.memory_space<vmem>>, vector<1x1xf32>
    %get3A_17 = arith.constant 0 : index
    %get3A_18 = arith.constant 0 : index
    %get3A_19 = vector.load %arg1[%get3A_17, %get3A_18] : memref<4096x128xf32, #tpu.memory_space<vmem>>, vector<4096x128xf32>
    %dot_general3A = arith.constant dense<0.000000e+00> : vector<4096x64xf32>
    %dot_general3A_20 = tpu.matmul %get3A_19, %get3A_1, %dot_general3A {dimension_numbers = #tpu.dot_dimension_numbers<[1], [0], [0], [1], [0, 0, 1, 1], [], []>, transpose_lhs_hint = false} : vector<4096x128xf32>, vector<128x64xf32>, vector<4096x64xf32> -> vector<4096x64xf32>
    %add3A = vector.broadcast %get3A_4 : vector<1x64xf32> to vector<4096x64xf32>
    %add3A_21 = arith.addf %dot_general3A_20, %add3A : vector<4096x64xf32>
    %max3A = arith.constant 0.000000e+00 : f32
    %max3A_22 = vector.broadcast %max3A : f32 to vector<4096x64xf32>
    %max3A_23 = arith.maximumf %add3A_21, %max3A_22 : vector<4096x64xf32>
    %dot_general3A_24 = arith.constant dense<0.000000e+00> : vector<4096x32xf32>
    %dot_general3A_25 = tpu.matmul %max3A_23, %get3A_7, %dot_general3A_24 {dimension_numbers = #tpu.dot_dimension_numbers<[1], [0], [0], [1], [0, 0, 1, 1], [], []>, transpose_lhs_hint = false} : vector<4096x64xf32>, vector<64x32xf32>, vector<4096x32xf32> -> vector<4096x32xf32>
    %add3A_26 = vector.broadcast %get3A_10 : vector<1x32xf32> to vector<4096x32xf32>
    %add3A_27 = arith.addf %dot_general3A_25, %add3A_26 : vector<4096x32xf32>
    %max3A_28 = arith.constant 0.000000e+00 : f32
    %max3A_29 = vector.broadcast %max3A_28 : f32 to vector<4096x32xf32>
    %max3A_30 = arith.maximumf %add3A_27, %max3A_29 : vector<4096x32xf32>
    %dot_general3A_31 = arith.constant dense<0.000000e+00> : vector<4096x1xf32>
    %dot_general3A_32 = tpu.matmul %max3A_30, %get3A_13, %dot_general3A_31 {dimension_numbers = #tpu.dot_dimension_numbers<[1], [0], [0], [1], [0, 0, 1, 1], [], []>, transpose_lhs_hint = false} : vector<4096x32xf32>, vector<32x1xf32>, vector<4096x1xf32> -> vector<4096x1xf32>
    %iota3A = tpu.iota {dimensions = array<i32: 0>} : vector<4096x128xi32>
    %iota3A_33 = tpu.iota {dimensions = array<i32: 1>} : vector<4096x128xi32>
    %and3A = arith.constant 127 : i32
    %and3A_34 = vector.broadcast %and3A : i32 to vector<4096x128xi32>
    %and3A_35 = arith.andi %iota3A, %and3A_34 : vector<4096x128xi32>
    %eq3A = arith.cmpi eq, %and3A_35, %iota3A_33 : vector<4096x128xi32>
    %jit3A = arith.constant 0.000000e+00 : f32
    %broadcast_in_dim3A = vector.shape_cast %dot_general3A_32 : vector<4096x1xf32> to vector<4096x1xf32>
    %broadcast_in_dim3A_36 = vector.broadcast %broadcast_in_dim3A : vector<4096x1xf32> to vector<4096x128xf32>
    %broadcast_in_dim3A_37 = vector.broadcast %jit3A : f32 to vector<4096x128xf32>
    %select_n3A = arith.select %eq3A, %broadcast_in_dim3A_36, %broadcast_in_dim3A_37 : vector<4096x128xi1>, vector<4096x128xf32>
    %reshape3A = vector.shape_cast %select_n3A : vector<4096x128xf32> to vector<32x128x128xf32>
    %reduce_sum3A = arith.constant dense<0.000000e+00> : vector<32x128xf32>
    %reduce_sum3A_38 = vector.multi_reduction <add>, %reshape3A, %reduce_sum3A [1] : vector<32x128x128xf32> to vector<32x128xf32>
    %add3A_39 = vector.broadcast %get3A_16 : vector<1x1xf32> to vector<32x128xf32>
    %add3A_40 = arith.addf %reduce_sum3A_38, %add3A_39 : vector<32x128xf32>
    %neg3A = arith.constant 0.000000e+00 : f32
    %neg3A_41 = vector.broadcast %neg3A : f32 to vector<32x128xf32>
    %neg3A_42 = arith.subf %neg3A_41, %add3A_40 : vector<32x128xf32>
    %exp3A = math.exp %neg3A_42 : vector<32x128xf32>
    %add3A_43 = arith.constant 1.000000e+00 : f32
    %add3A_44 = vector.broadcast %add3A_43 : f32 to vector<32x128xf32>
    %add3A_45 = arith.addf %add3A_44, %exp3A : vector<32x128xf32>
    %div3A = arith.constant 1.000000e+00 : f32
    %div3A_46 = vector.broadcast %div3A : f32 to vector<32x128xf32>
    %div3A_47 = arith.divf %div3A_46, %add3A_45 : vector<32x128xf32>
    %swap3A = arith.constant 0 : index
    %swap3A_48 = arith.constant 0 : index
    %swap3A_49 = vector.load %arg9[%swap3A, %swap3A_48] : memref<64x128xf32, #tpu.memory_space<vmem>>, vector<32x128xf32>
    tpu.vector_store %arg9[%swap3A, %swap3A_48], %div3A_47 {strides = array<i32>} : memref<64x128xf32, #tpu.memory_space<vmem>>, vector<32x128xf32>,
    %get3A_50 = arith.constant 0 : index
    %get3A_51 = arith.constant 0 : index
    %get3A_52 = vector.load %arg2[%get3A_50, %get3A_51] : memref<4096x128xf32, #tpu.memory_space<vmem>>, vector<4096x128xf32>
    %dot_general3A_53 = arith.constant dense<0.000000e+00> : vector<4096x64xf32>
    %dot_general3A_54 = tpu.matmul %get3A_52, %get3A_1, %dot_general3A_53 {dimension_numbers = #tpu.dot_dimension_numbers<[1], [0], [0], [1], [0, 0, 1, 1], [], []>, transpose_lhs_hint = false} : vector<4096x128xf32>, vector<128x64xf32>, vector<4096x64xf32> -> vector<4096x64xf32>
    %add3A_55 = vector.broadcast %get3A_4 : vector<1x64xf32> to vector<4096x64xf32>
    %add3A_56 = arith.addf %dot_general3A_54, %add3A_55 : vector<4096x64xf32>
    %max3A_57 = arith.constant 0.000000e+00 : f32
    %max3A_58 = vector.broadcast %max3A_57 : f32 to vector<4096x64xf32>
    %max3A_59 = arith.maximumf %add3A_56, %max3A_58 : vector<4096x64xf32>
    %dot_general3A_60 = arith.constant dense<0.000000e+00> : vector<4096x32xf32>
    %dot_general3A_61 = tpu.matmul %max3A_59, %get3A_7, %dot_general3A_60 {dimension_numbers = #tpu.dot_dimension_numbers<[1], [0], [0], [1], [0, 0, 1, 1], [], []>, transpose_lhs_hint = false} : vector<4096x64xf32>, vector<64x32xf32>, vector<4096x32xf32> -> vector<4096x32xf32>
    %add3A_62 = vector.broadcast %get3A_10 : vector<1x32xf32> to vector<4096x32xf32>
    %add3A_63 = arith.addf %dot_general3A_61, %add3A_62 : vector<4096x32xf32>
    %max3A_64 = arith.constant 0.000000e+00 : f32
    %max3A_65 = vector.broadcast %max3A_64 : f32 to vector<4096x32xf32>
    %max3A_66 = arith.maximumf %add3A_63, %max3A_65 : vector<4096x32xf32>
    %dot_general3A_67 = arith.constant dense<0.000000e+00> : vector<4096x1xf32>
    %dot_general3A_68 = tpu.matmul %max3A_66, %get3A_13, %dot_general3A_67 {dimension_numbers = #tpu.dot_dimension_numbers<[1], [0], [0], [1], [0, 0, 1, 1], [], []>, transpose_lhs_hint = false} : vector<4096x32xf32>, vector<32x1xf32>, vector<4096x1xf32> -> vector<4096x1xf32>
    %iota3A_69 = tpu.iota {dimensions = array<i32: 0>} : vector<4096x128xi32>
    %iota3A_70 = tpu.iota {dimensions = array<i32: 1>} : vector<4096x128xi32>
    %and3A_71 = arith.constant 127 : i32
    %and3A_72 = vector.broadcast %and3A_71 : i32 to vector<4096x128xi32>
    %and3A_73 = arith.andi %iota3A_69, %and3A_72 : vector<4096x128xi32>
    %eq3A_74 = arith.cmpi eq, %and3A_73, %iota3A_70 : vector<4096x128xi32>
    %jit3A_75 = arith.constant 0.000000e+00 : f32
    %broadcast_in_dim3A_76 = vector.shape_cast %dot_general3A_68 : vector<4096x1xf32> to vector<4096x1xf32>
    %broadcast_in_dim3A_77 = vector.broadcast %broadcast_in_dim3A_76 : vector<4096x1xf32> to vector<4096x128xf32>
    %broadcast_in_dim3A_78 = vector.broadcast %jit3A_75 : f32 to vector<4096x128xf32>
    %select_n3A_79 = arith.select %eq3A_74, %broadcast_in_dim3A_77, %broadcast_in_dim3A_78 : vector<4096x128xi1>, vector<4096x128xf32>
    %reshape3A_80 = vector.shape_cast %select_n3A_79 : vector<4096x128xf32> to vector<32x128x128xf32>
    %reduce_sum3A_81 = arith.constant dense<0.000000e+00> : vector<32x128xf32>
    %reduce_sum3A_82 = vector.multi_reduction <add>, %reshape3A_80, %reduce_sum3A_81 [1] : vector<32x128x128xf32> to vector<32x128xf32>
    %add3A_83 = vector.broadcast %get3A_16 : vector<1x1xf32> to vector<32x128xf32>
    %add3A_84 = arith.addf %reduce_sum3A_82, %add3A_83 : vector<32x128xf32>
    %neg3A_85 = arith.constant 0.000000e+00 : f32
    %neg3A_86 = vector.broadcast %neg3A_85 : f32 to vector<32x128xf32>
    %neg3A_87 = arith.subf %neg3A_86, %add3A_84 : vector<32x128xf32>
    %exp3A_88 = math.exp %neg3A_87 : vector<32x128xf32>
    %add3A_89 = arith.constant 1.000000e+00 : f32
    %add3A_90 = vector.broadcast %add3A_89 : f32 to vector<32x128xf32>
    %add3A_91 = arith.addf %add3A_90, %exp3A_88 : vector<32x128xf32>
    %div3A_92 = arith.constant 1.000000e+00 : f32
    %div3A_93 = vector.broadcast %div3A_92 : f32 to vector<32x128xf32>
    %div3A_94 = arith.divf %div3A_93, %add3A_91 : vector<32x128xf32>
    %swap3A_95 = arith.constant 32 : index
    %swap3A_96 = arith.constant 0 : index
    %swap3A_97 = vector.load %arg9[%swap3A_95, %swap3A_96] : memref<64x128xf32, #tpu.memory_space<vmem>>, vector<32x128xf32>
    tpu.vector_store %arg9[%swap3A_95, %swap3A_96], %div3A_94 {strides = array<i32>} : memref<64x128xf32, #tpu.memory_space<vmem>>, vector<32x128xf32>,
    return
  }
  func.func @transform_0(%arg0: i32) -> (i32, i32) {
    %mul3A = arith.constant 2 : i32
    %mul3A_0 = arith.muli %mul3A, %arg0 : i32
    %c0_i32 = arith.constant 0 : i32
    %c0_i32_1 = arith.constant 0 : i32
    return %mul3A_0, %c0_i32 : i32, i32
  }
  func.func @transform_1(%arg0: i32) -> (i32, i32) {
    %mul3A = arith.constant 2 : i32
    %mul3A_0 = arith.muli %mul3A, %arg0 : i32
    %add3A = arith.constant 1 : i32
    %add3A_1 = arith.addi %mul3A_0, %add3A : i32
    %c0_i32 = arith.constant 0 : i32
    %c0_i32_2 = arith.constant 0 : i32
    return %add3A_1, %c0_i32 : i32, i32
  }
  func.func @transform_2(%arg0: i32) -> (i32, i32) {
    %c0_i32 = arith.constant 0 : i32
    %c0_i32_0 = arith.constant 0 : i32
    %c0_i32_1 = arith.constant 0 : i32
    return %c0_i32, %c0_i32_0 : i32, i32
  }
  func.func @transform_3(%arg0: i32) -> (i32, i32) {
    %c0_i32 = arith.constant 0 : i32
    %c0_i32_0 = arith.constant 0 : i32
    %c0_i32_1 = arith.constant 0 : i32
    return %c0_i32, %c0_i32_0 : i32, i32
  }
  func.func @transform_4(%arg0: i32) -> (i32, i32) {
    %c0_i32 = arith.constant 0 : i32
    %c0_i32_0 = arith.constant 0 : i32
    %c0_i32_1 = arith.constant 0 : i32
    return %c0_i32, %c0_i32_0 : i32, i32
  }
  func.func @transform_5(%arg0: i32) -> (i32, i32) {
    %c0_i32 = arith.constant 0 : i32
    %c0_i32_0 = arith.constant 0 : i32
    %c0_i32_1 = arith.constant 0 : i32
    return %c0_i32, %c0_i32_0 : i32, i32
  }
  func.func @transform_6(%arg0: i32) -> (i32, i32) {
    %c0_i32 = arith.constant 0 : i32
    %c0_i32_0 = arith.constant 0 : i32
    %c0_i32_1 = arith.constant 0 : i32
    return %c0_i32, %c0_i32_0 : i32, i32
  }
  func.func @transform_7(%arg0: i32) -> (i32, i32) {
    %c0_i32 = arith.constant 0 : i32
    %c0_i32_0 = arith.constant 0 : i32
    %c0_i32_1 = arith.constant 0 : i32
    return %c0_i32, %c0_i32_0 : i32, i32
  }
  func.func @transform_8(%arg0: i32) -> (i32, i32) {
    %c0_i32 = arith.constant 0 : i32
    %c0_i32_0 = arith.constant 0 : i32
    return %arg0, %c0_i32 : i32, i32
  }
}

</mosaic_0001>

<sc_bundles>
// kernel: kernel.4.cloned.1.call-start
scs
__scs_entry_jumppad:
0x0: {  	(pc) =	sbr.rel $0x88, $3  }
0x1: {  	(tag) =	ssettag $0x0;
	lr =	simm.s32 $0x1  }
0x2: {  	[smem:$0x3F99] =	sst lr;
	_ =	strace $0xD0000000  }
0x3: {  	_ = 	snop  }
0x4: {  	_ = 	snop  }
0x5: {  	_ = 	snop  }
0x6: {  	_ = 	snop  }
0x7: {  	_ = 	snop  }
__scs_overlays_trampoline_lowered:
0x8: {  	[smem:$0x3FA8] =	sst s0  }
0x9: {  	[smem:$0x3FA9] =	sst s1  }
0xa: {  	[smem:$0x3FAA] =	sst s2  }
0xb: {  	[smem:$0x3FAB] =	sst s3  }
0xc: {  	[smem:$0x3FAC] =	sst s4  }
0xd: {  	[smem:$0x3FAD] =	sst s5  }
0xe: {  	[smem:$0x3FAE] =	sst s6  }
0xf: {  	[smem:$0x3FAF] =	sst s7  }
0x10: {  	[smem:$0x3FB0] =	sst s8  }
0x11: {  	[smem:$0x3FB1] =	sst s9;
	s0 =	simm.s32 @!p0 $0x0  }
0x12: {  	s1 =	sld [smem:$0x3F97];
	s0 =	simm.s32 @p0 $0x1  }
0x13: {  	[smem:$0x3FB2] =	sst s0;
	s0 =	simm.s32 @!p1 $0x0  }
0x14: {  	s2 =	sld [smem:$0x3F96];
	s0 =	simm.s32 @p1 $0x1  }
0x15: {  	[smem:$0x3FB3] =	sst s0;
	s0 =	simm.s32 @!p2 $0x0  }
0x16: {  	s3 =	sld [smem:$0x3FDB];
	s0 =	simm.s32 @p2 $0x1  }
0x17: {  	s4 =	simm.s32 $0x1BF5;
	[smem:$0x3FB5] =	sst s0  }
0x18: {  	s0 =	sld [smem:$0x3F98];
	_ =	swait.ge [sflag:s4], $0x0  }
0x19: {  	s7 =	sld [smem:$0x3F99]  }
0x1a: {  	s8 =	sadd.s32 $0xFFFFE003, lr  }
0x1b: {  	s9 =	sadd.s32 $0xFFFFFEF7, lr;
	s5 =	simm.s32 $0xFFFFFFFF;
	p2 =	slt.u32 s8, $0xFFFFF086  }
0x1c: {  	p1 =	slt.u32 s9, $0xF7A;
	s5 =	simm.s32 @!p2 $0x0  }
0x1d: {  	s5 =	simm.s32 @p1 $0x1;
	p0 =	seq.s32 s7, s2  }
0x1e: {  	s7 =	smul.u32 @!p0 $0xF7A, s2;
	p2 =	seq.s32 @!p0 s5, $0x0  }
0x1f: {  	s9 =	smul.u32 $0xF7A, s1;
	s8 =	simm.s32 @!p0 $0x1BF5;
	p2 =	por !p2, p0  }
0x20: {  	[sflag:s8] =	ssyncset.s32 @!p0 $0xFFFFF086;
	s6 =	sadd.s32 @!p0 s3, s7;
	s7 =	simm.s32 @!p0 $0x108  }
0x21: {  	s3 =	sadd.s32 s3, s9;
	s6 =	sadd.s32 @!p0 $0x88, s6;
	s7 =	simm.s32 @p2 $0x1082  }
0x22: {  	[simem:s7], [sflag:s8] =	dma.local @!p0 [hbm:s6], $0xF7A  }
0x23: {  	s9 =	sor.u32 $0xD0000000, s2;
	s6 =	simm.s32 $0x108;
	_ =	swait.ge @!p0 [sflag:s8], $0x0  }
0x24: {  	s3 =	sadd.s32 $0x88, s3;
	s6 =	simm.s32 @!p1 $0x1082;
	[sflag:s4] =	ssyncset.s32 $0xFFFFF086  }
0x25: {  	[simem:s6], [sflag:s4] =	dma.local [hbm:s3], $0xF7A  }
0x26: {  	[smem:$0x3F99] =	sst s1;
	(tag) =	ssettag s2;
	_ =	strace s9  }
0x27: {  	s1 =	sld [smem:$0x3FA9]  }
0x28: {  	s2 =	sld [smem:$0x3FAA]  }
0x29: {  	s4 =	sld [smem:$0x3FAC]  }
0x2a: {  	p0 =	seq.s32 s5, $0x0;
	s5 =	sld [smem:$0x3FAD]  }
0x2b: {  	s6 =	sld [smem:$0x3FAE]  }
0x2c: {  	s7 =	sld [smem:$0x3FAF]  }
0x2d: {  	s3 =	simm.s32 $0x108;
	s8 =	sld [smem:$0x3FB0]  }
0x2e: {  	s3 =	simm.s32 @!p0 $0x1082;
	s9 =	sld [smem:$0x3FB1]  }
0x2f: {  	lr =	sadd.s32 s0, s3;
	s0 =	sld [smem:$0x3FA8]  }
0x30: {  	s3 =	sld [smem:$0x3FAB]  }
0x31: {  	[smem:$0x3FB4] =	sst s10  }
0x32: {  	s10 =	sld [smem:$0x3FB2];
	_ =	sdelay $0x3  }
0x33: {  	p0 =	seq.s32 s10, $0x1;
	s10 =	sld [smem:$0x3FB4];
	_ =	sdelay $0x3  }
0x34: {  	[smem:$0x3FB4] =	sst s10  }
0x35: {  	s10 =	sld [smem:$0x3FB3];
	_ =	sdelay $0x3  }
0x36: {  	p1 =	seq.s32 s10, $0x1;
	s10 =	sld [smem:$0x3FB4];
	_ =	sdelay $0x3  }
0x37: {  	[smem:$0x3FB4] =	sst s10  }
0x38: {  	s10 =	sld [smem:$0x3FB5]  }
0x39: {  	_ = 	snop;
	(pc) =	sbr.ind lr, $3  }
0x3a: {  	_ = 	snop  }
0x3b: {  	_ = 	snop  }
0x3c: {  	p2 =	seq.s32 s10, $0x1;
	s10 =	sld [smem:$0x3FB4]  }
0x3d: {  	_ =	shalt  }
0x3e: {  	_ =	shalt  }
0x3f: {  	_ =	shalt  }
0x40: {  	_ =	shalt  }
0x41: {  	_ =	shalt  }
0x42: {  	_ =	shalt  }
0x43: {  	_ =	shalt  }
0x44: {  	_ =	shalt  }
0x45: {  	_ =	shalt  }
0x46: {  	_ =	shalt  }
0x47: {  	_ =	shalt  }
0x48: {  	_ =	shalt  }
0x49: {  	_ =	shalt  }
0x4a: {  	_ =	shalt  }
0x4b: {  	_ =	shalt  }
0x4c: {  	_ =	shalt  }
0x4d: {  	_ =	shalt  }
0x4e: {  	_ =	shalt  }
0x4f: {  	_ =	shalt  }
0x50: {  	_ =	shalt  }
0x51: {  	_ =	shalt  }
0x52: {  	_ =	shalt  }
0x53: {  	_ =	shalt  }
0x54: {  	_ =	shalt  }
0x55: {  	_ =	shalt  }
0x56: {  	_ =	shalt  }
0x57: {  	_ =	shalt  }
0x58: {  	_ =	shalt  }
0x59: {  	_ =	shalt  }
0x5a: {  	_ =	shalt  }
0x5b: {  	_ =	shalt  }
0x5c: {  	_ =	shalt  }
0x5d: {  	_ =	shalt  }
0x5e: {  	_ =	shalt  }
0x5f: {  	_ =	shalt  }
0x60: {  	_ =	shalt  }
0x61: {  	_ =	shalt  }
0x62: {  	_ =	shalt  }
0x63: {  	_ =	shalt  }
0x64: {  	_ =	shalt  }
0x65: {  	_ =	shalt  }
0x66: {  	_ =	shalt  }
0x67: {  	_ =	shalt  }
0x68: {  	_ =	shalt  }
0x69: {  	_ =	shalt  }
0x6a: {  	_ =	shalt  }
0x6b: {  	_ =	shalt  }
0x6c: {  	_ =	shalt  }
0x6d: {  	_ =	shalt  }
0x6e: {  	_ =	shalt  }
0x6f: {  	_ =	shalt  }
0x70: {  	_ =	shalt  }
0x71: {  	_ =	shalt  }
0x72: {  	_ =	shalt  }
0x73: {  	_ =	shalt  }
0x74: {  	_ =	shalt  }
0x75: {  	_ =	shalt  }
0x76: {  	_ =	shalt  }
0x77: {  	_ =	shalt  }
0x78: {  	_ =	shalt  }
0x79: {  	_ =	shalt  }
0x7a: {  	_ =	shalt  }
0x7b: {  	_ =	shalt  }
0x7c: {  	_ =	shalt  }
0x7d: {  	_ =	shalt  }
0x7e: {  	_ =	shalt  }
0x7f: {  	_ =	shalt  }
0x80: {  	_ =	shalt  }
0x81: {  	_ =	shalt  }
0x82: {  	_ =	shalt  }
0x83: {  	_ =	shalt  }
0x84: {  	_ =	shalt  }
0x85: {  	_ =	shalt  }
0x86: {  	_ =	shalt  }
0x87: {  	_ =	shalt  }
.Lfunc_end0:
.L_simem_size_0:
called_computation_lowered:
.L_overlay_start_0:
0x88: {  	s2 =	sld [smem:$0x3FD9]  }
0x89: {  	s3 =	sld [smem:$0x3FFE];
	_ =	sdelay $0x1  }
0x8a: {  	s1 =	srdreg.scid  }
0x8b: {  	s0 =	sand.u32 $0x1, s1  }
0x8c: {  	s15 =	sshll.u32 s0, $0xA;
	s2 =	sadd.s32 s3, s2  }
0x8d: {  	s2 =	sadd.s32 s2, s15  }
0x8e: {  	[smem:$0x3FC0] =	sst s2  }
0x8f: {  	_ = 	snop  }
0x90: {  	s2 =	sld [smem:$0x3FD0];
	_ =	sdelay $0x1  }
0x91: {  	s16 =	sld [smem:$0x3FC9]  }
0x92: {  	s5 =	simm.s32 $0xA;
	s6 =	simm.s32 $0x10;
	s4 =	sld [smem:$0x3FC2]  }
0x93: {  	[smem:s6], [sflag:s5] =	dma.local [hbm:s2], $0x1  }
0x94: {  	_ =	swait.eq [sflag:s5], $0x1  }
0x95: {  	[sflag:s5] =	ssyncset.done $0x0  }
0x96: {  	[sflag:s5] =	ssyncadd.s32 $0xFFFFFFFF  }
0x97: {  	s17 =	sld [smem:$0x11];
	(tm) =	ssettm $0x1  }
0x98: {  	s18 =	sld [smem:$0x3FFB];
	_ =	sdelay $0x3  }
0x99: {  	_ =	strace s18  }
0x9a: {  	s5 =	sld [smem:$0x3FFC];
	_ =	sdelay $0x3  }
0x9b: {  	_ =	strace s5  }
0x9c: {  	s5 =	sld [smem:$0x3FFD];
	_ =	sdelay $0x3  }
0x9d: {  	_ =	strace s5  }
0x9e: {  	_ =	strace $0x8FFFFFFF  }
0x9f: {  	s19 =	sld [smem:$0x3FDB];
	_ =	sdelay $0x1  }
0xa0: {  	s20 =	simm.s32 $_scs_section_size  }
0xa1: {  	s7 =	simm.s32 $_size__tile_overlayer_lowered;
	s8 =	simm.s32 $_tile_overlayer_lowered  }
0xa2: {  	s23 =	simm.s32 $0x1BFF;
	s22 =	sshll.u32 s8, $0x1;
	s5 =	sadd.s32 s20, s19  }
0xa3: {  	s9 =	simm.s32 $0x0;
	s21 =	sshll.u32 s7, $0x1;
	s7 =	sadd.s32 s22, s5  }
0xa4: {  	[timem:s9], [sflag:s23] =	dma.local [hbm:s7], s21  }
0xa5: {  	_ =	swait.ge [sflag:s23], s21  }
0xa6: {  	s6 =	ssub.s32 $0x0, s21;
	[sflag:s23] =	ssyncset.done $0x0  }
0xa7: {  	[sflag:s23] =	ssyncadd.s32 s6;
	_ =	sdelay $0x1  }
0xa8: {  	s24 =	simm.s32 $0x1B8B  }
0xa9: {  	_ =	swait.ge [sflag:s24], $0x1  }
0xaa: {  	[sflag:s24] =	ssyncset.done $0x0  }
0xab: {  	s25 =	simm.s32 $0x1B8E;
	[sflag:s24] =	ssyncadd.s32 $0xFFFFFFFF  }
0xac: {  	s26 =	simm.s32 $execute0_lowered;
	[smem:$0x3FD2] =	sst s25  }
0xad: {  	s6 =	sshll.u32 s26, $0x1;
	_ =	strace $0x80000046;
	[dreg:$0x1] =	wrdreg $0xFFFFFFFF  }
0xae: {  	s28 =	simm.s32 $_size_execute0_lowered;
	s5 =	sadd.s32 s5, s6;
	[dreg:$0x0] =	wrdreg $0x0  }
0xaf: {  	s6 =	sshll.u32 s28, $0x1;
	[dreg:$0x2] =	wrdreg s5  }
0xb0: {  	[dreg:$0x3] =	wrdreg s6  }
0xb1: {  	[dreg:$0x4] =	wrdreg $0xC0  }
0xb2: {  	_ =	task [dreg:s9], $0x5FFFF  }
0xb3: {  	[dreg:$0x1] =	wrdreg $0xFFFFFFFF  }
0xb4: {  	[dreg:$0x0] =	wrdreg $0x60  }
0xb5: {  	[dreg:$0x2] =	wrdreg s16  }
0xb6: {  	[dreg:$0x3] =	wrdreg s4  }
0xb7: {  	[dreg:$0x4] =	wrdreg s17  }
0xb8: {  	[dreg:$0x5] =	wrdreg $0x9  }
0xb9: {  	_ =	task.clear_ibuf [dreg:s9], $0x6FFFF;
	_ =	strace $0x90000046  }
0xba: {  	s29 =	simm.s32 $0x9;
	_ =	strace $0x80000048  }
0xbb: {  	_ =	swait.ge [sflag:s29], $0x1  }
0xbc: {  	[sflag:s29] =	ssyncadd.s32 $0xFFFFFFFF  }
0xbd: {  	_ =	strace $0x90000048  }
0xbe: {  	_ =	sfence  }
0xbf: {  	s30 =	sld [smem:$0x0];
	_ =	sdelay $0x2  }
0xc0: {  	s31 =	sshll.u32 s1, $0xD;
	s1 =	sshrl.u32 s1, $0x2  }
0xc1: {  	s3 =	sand.u32 $0x4000, s31;
	s1 =	sadd.s32 s1, s30  }
0xc2: {  	s0 =	sor.u32 s3, s0;
	s1 =	sshll.u32 s1, $0x11  }
0xc3: {  	s0 =	sor.u32 s1, s0  }
0xc4: {  	s0 =	sadd.s32 $0x8F2B, s0  }
0xc5: {  	[sflag:s0] =	ssyncadd.remote.s32 $0x1  }
0xc6: {  	_ =	sfence.sel $0xFFFF  }
0xc7: {  	[dreg:$0x0] =	wrdreg $0xFFFFFFFF;
	(pc) =	sbr.abs _section_cstart, $3  }
0xc8: {  	[dreg:$0x1] =	wrdreg $0xFFFFFFFF  }
0xc9: {  	_ =	task.clear_ibuf [dreg:s9], $0x2FFFF;
	_ =	strace $0x9FFFFFFF  }
0xca: {  	(tm) =	ssettm $0x7FFFFFFF  }
0xcb: {  	_ =	shalt  }
tec
execute0_lowered:
.L_overlay_start_1:
0x0: {  	(tag) =	ssettag $0x1  }
0x1: {  	s1 =	rddreg [dreg:$0x0];
	s2 =	srdreg.scid  }
0x2: {  	s4 =	rddreg [dreg:$0x1];
	s0 =	stileid.u32;
	s22 =	sand.u32 $0x1, s2  }
0x3: {  	s14 =	rddreg [dreg:$0x2];
	s5 =	sshll.u32 s0, $0xA;
	s6 =	sshll.u32 s22, $0x9  }
0x4: {  	s3 =	simm.s32 $0x0;
	s2 =	rddreg [dreg:$0x3];
	s15 =	sor.u32 s6, s5  }
0x5: {  	[smem:$0x7FF] =	sst s3;
	s5 =	sshrl.u32 s15, $0x3  }
0x6: {  	_ =	strace $0x80000047;
	s4 =	sadd.s32 s4, s5;
	s5 =	simm.s32 $0x6  }
0x7: {  	[tilespmem:s3], [sflag:$0x6] =	stream.linear.gather [hbm4b:s4+s3], $0x200, $0x38;
	[tilespmem:$0x10200] =	vst v63  }
0x8: {  	_ =	swait.ge [sflag:s5], $0x200  }
0x9: {  	[sflag:s5] =	ssyncset.done $0x0  }
0xa: {  	s7 =	simm.s32 $0x200;
	s6 =	simm.s32 $0x80;
	[sflag:s5] =	ssyncadd.s32 $0xFFFFFE00  }
0xb: {  	[tilespmem:s7], [sflag:$0x1] =	stream.indirect.gather [hbm4b:s1+s6], $0x80, s3, s6, $0xb8;
	[tilespmem:$0x10200] =	vst v63  }
0xc: {  	s8 =	simm.s32 $0x4200  }
0xd: {  	[tilespmem:s8], [sflag:$0x2] =	stream.indirect.gather [hbm4b:s1+s6], $0x80, s6, s6, $0xb8;
	[tilespmem:$0x10200] =	vst v63  }
0xe: {  	s9 =	simm.s32 $0x100;
	s10 =	simm.s32 $0x8200  }
0xf: {  	[tilespmem:s10], [sflag:$0x3] =	stream.indirect.gather [hbm4b:s1+s6], $0x80, s9, s6, $0xb8;
	[tilespmem:$0x10200] =	vst v63  }
0x10: {  	s11 =	simm.s32 $0x180;
	s12 =	simm.s32 $0xC200;
	s13 =	simm.s32 $0x1  }
0x11: {  	[tilespmem:s12], [sflag:$0x4] =	stream.indirect.gather [hbm4b:s1+s6], $0x80, s11, s6, $0xb8;
	[tilespmem:$0x10200] =	vst v63  }
0x12: {  	_ =	swait.ge [sflag:s13], $0x4000  }
0x13: {  	s15 =	sshll.u32 s15, $0x4;
	[sflag:s13] =	ssyncset.done $0x0  }
0x14: {  	s14 =	sadd.s32 s14, s15;
	s15 =	simm.s32 $0x2;
	[sflag:s13] =	ssyncadd.s32 $0xFFFFC000  }
0x15: {  	[hbm4b:s14+s3] =	stream.linear.scatter [tilespmem:s7], [sflag:$0x5], $0x4000, $0x38;
	[tilespmem:$0x10200] =	vst v63  }
0x16: {  	_ =	swait.ge [sflag:s15], $0x4000  }
0x17: {  	[sflag:s15] =	ssyncset.done $0x0  }
0x18: {  	s17 =	simm.s32 $0x3;
	s16 =	sadd.s32 $0x800, s14;
	[sflag:s15] =	ssyncadd.s32 $0xFFFFC000  }
0x19: {  	[hbm4b:s16+s3] =	stream.linear.scatter [tilespmem:s8], [sflag:$0x5], $0x4000, $0x38;
	[tilespmem:$0x10200] =	vst v63  }
0x1a: {  	_ =	swait.ge [sflag:s17], $0x4000  }
0x1b: {  	[sflag:s17] =	ssyncset.done $0x0  }
0x1c: {  	s19 =	simm.s32 $0x4;
	s18 =	sadd.s32 $0x1000, s14;
	[sflag:s17] =	ssyncadd.s32 $0xFFFFC000  }
0x1d: {  	[hbm4b:s18+s3] =	stream.linear.scatter [tilespmem:s10], [sflag:$0x5], $0x4000, $0x38;
	[tilespmem:$0x10200] =	vst v63  }
0x1e: {  	_ =	swait.ge [sflag:s19], $0x4000  }
0x1f: {  	[sflag:s19] =	ssyncset.done $0x0  }
0x20: {  	s20 =	simm.s32 $0x5;
	s21 =	sadd.s32 $0x1800, s14;
	[sflag:s19] =	ssyncadd.s32 $0xFFFFC000  }
0x21: {  	[hbm4b:s21+s3] =	stream.linear.scatter [tilespmem:s12], [sflag:$0x5], $0x4000, $0x38;
	[tilespmem:$0x10200] =	vst v63  }
0x22: {  	_ =	swait.ge [sflag:s20], $0x4000  }
0x23: {  	s22 =	ssub.s32 $0x2, s22;
	[sflag:s20] =	ssyncset.done $0x0  }
0x24: {  	s23 =	sshrl.u32 s22, $0x1;
	[sflag:s20] =	ssyncadd.s32 $0xFFFFC000  }
0x25: {  	s22 =	ssub.s32 s22, s23;
	_ =	swait.ge [sflag:s20], $0x4000  }
0x26: {  	s22 =	smax.u32 s22, $0x1;
	[sflag:s20] =	ssyncset.done $0x0  }
0x27: {  	p0 =	sne.s32 s22, $0x1;
	[sflag:s20] =	ssyncadd.s32 $0xFFFFC000  }
.Ltmp0:
0x28: {  	_ =	swait.ge [sflag:s20], $0x4000;
	(pc) =	sbr.rel @!p0 .LBB2_2-.Ltmp0, $4  }
0x29: {  	[sflag:s20] =	ssyncset.done $0x0  }
0x2a: {  	[sflag:s20] =	ssyncadd.s32 $0xFFFFC000  }
0x2b: {  	_ =	swait.ge [sflag:s20], $0x4000  }
0x2c: {  	s22 =	sadd.s32 $0xFFFFFFFF, s22;
	[sflag:s20] =	ssyncset.done $0x0  }
.LBB2_1:
0x2d: {  	p0 =	sne.s32 s22, $0x1;
	s22 =	sadd.s32 $0xFFFFFFFF, s22;
	[sflag:s20] =	ssyncadd.s32 $0xFFFFC000  }
0x2e: {  	[tilespmem:s3], [sflag:$0x6] =	stream.linear.gather [hbm4b:s4+s3], $0x200, $0x38;
	[tilespmem:$0x10200] =	vst v63  }
0x2f: {  	_ =	swait.ge [sflag:s5], $0x200  }
0x30: {  	[sflag:s5] =	ssyncset.done $0x0  }
0x31: {  	[sflag:s5] =	ssyncadd.s32 $0xFFFFFE00  }
0x32: {  	[tilespmem:s7], [sflag:$0x1] =	stream.indirect.gather [hbm4b:s1+s6], $0x80, s3, s6, $0xb8;
	[tilespmem:$0x10200] =	vst v63  }
0x33: {  	_ = 	snop  }
0x34: {  	[tilespmem:s8], [sflag:$0x2] =	stream.indirect.gather [hbm4b:s1+s6], $0x80, s6, s6, $0xb8;
	[tilespmem:$0x10200] =	vst v63  }
0x35: {  	_ = 	snop  }
0x36: {  	[tilespmem:s10], [sflag:$0x3] =	stream.indirect.gather [hbm4b:s1+s6], $0x80, s9, s6, $0xb8;
	[tilespmem:$0x10200] =	vst v63  }
0x37: {  	_ = 	snop  }
0x38: {  	[tilespmem:s12], [sflag:$0x4] =	stream.indirect.gather [hbm4b:s1+s6], $0x80, s11, s6, $0xb8;
	[tilespmem:$0x10200] =	vst v63  }
0x39: {  	_ =	swait.ge [sflag:s13], $0x4000  }
0x3a: {  	[sflag:s13] =	ssyncset.done $0x0  }
0x3b: {  	[sflag:s13] =	ssyncadd.s32 $0xFFFFC000  }
0x3c: {  	[hbm4b:s14+s3] =	stream.linear.scatter [tilespmem:s7], [sflag:$0x5], $0x4000, $0x38;
	[tilespmem:$0x10200] =	vst v63  }
0x3d: {  	_ =	swait.ge [sflag:s15], $0x4000  }
0x3e: {  	[sflag:s15] =	ssyncset.done $0x0  }
0x3f: {  	[sflag:s15] =	ssyncadd.s32 $0xFFFFC000  }
0x40: {  	[hbm4b:s16+s3] =	stream.linear.scatter [tilespmem:s8], [sflag:$0x5], $0x4000, $0x38;
	[tilespmem:$0x10200] =	vst v63  }
0x41: {  	_ =	swait.ge [sflag:s17], $0x4000  }
0x42: {  	[sflag:s17] =	ssyncset.done $0x0  }
0x43: {  	[sflag:s17] =	ssyncadd.s32 $0xFFFFC000  }
0x44: {  	[hbm4b:s18+s3] =	stream.linear.scatter [tilespmem:s10], [sflag:$0x5], $0x4000, $0x38;
	[tilespmem:$0x10200] =	vst v63  }
0x45: {  	_ =	swait.ge [sflag:s19], $0x4000  }
0x46: {  	[sflag:s19] =	ssyncset.done $0x0  }
0x47: {  	[sflag:s19] =	ssyncadd.s32 $0xFFFFC000  }
0x48: {  	[hbm4b:s21+s3] =	stream.linear.scatter [tilespmem:s12], [sflag:$0x5], $0x4000, $0x38;
	[tilespmem:$0x10200] =	vst v63  }
0x49: {  	_ =	swait.ge [sflag:s20], $0x4000  }
0x4a: {  	[sflag:s20] =	ssyncset.done $0x0  }
0x4b: {  	[sflag:s20] =	ssyncadd.s32 $0xFFFFC000  }
0x4c: {  	_ =	swait.ge [sflag:s20], $0x4000  }
0x4d: {  	[sflag:s20] =	ssyncset.done $0x0  }
0x4e: {  	[sflag:s20] =	ssyncadd.s32 $0xFFFFC000  }
.Ltmp1:
0x4f: {  	_ =	swait.ge [sflag:s20], $0x4000;
	(pc) =	sbr.rel @p0 .LBB2_1-.Ltmp1, $4  }
0x50: {  	[sflag:s20] =	ssyncset.done $0x0  }
0x51: {  	[sflag:s20] =	ssyncadd.s32 $0xFFFFC000  }
0x52: {  	_ =	swait.ge [sflag:s20], $0x4000  }
0x53: {  	[sflag:s20] =	ssyncset.done $0x0  }
.LBB2_2:
0x54: {  	[sflag:s20] =	ssyncadd.s32 $0xFFFFC000  }
0x55: {  	_ =	sfence.sel $0x180000  }
0x56: {  	[bflag:$0x0] =	sbarrier.arrive $0xFFFF  }
0x57: {  	p0 =	sne.s32 s0, $0x0;
	_ =	strace $0x90000047  }
0x58: {  	s0 =	sadd.s32 @!p0 $0x100000, s2;
	[bflag:$0x2] =	sbarrier.arrive $0xFFFF  }
0x59: {  	[sflag:s0] =	ssyncadd.tile.s32 @!p0 $0x1;
	_ =	shalt  }
.Lfunc_end2:
_tile_overlayer_lowered:
.L_overlay_start_2:
0x5a: {  	(tag) =	ssettag $0x2  }
0x5b: {  	s0 =	rddreg [dreg:$0x0];
	s2 =	stileid.u32  }
0x5c: {  	s1 =	rddreg [dreg:$0x1];
	p0 =	sne.s32 s2, $0x0  }
0x5d: {  	s3 =	rddreg [dreg:$0x2];
	[bflag:$0x3] =	sbarrier.arrive $0xFFFF;
	s2 =	simm.s32 @!p0 $0x1C06  }
0x5e: {  	[timem:s3], [sflag:s2] =	dma.local @!p0 [hbm:s0], s1  }
0x5f: {  	s0 =	simm.s32 @!p0 $0x6  }
0x60: {  	_ =	swait.ge @!p0 [sflag:s0], s1  }
0x61: {  	s1 =	ssub.s32 @!p0 $0x0, s1;
	[sflag:s0] =	ssyncset.done @!p0 $0x0  }
0x62: {  	[sflag:s0] =	ssyncadd.s32 @!p0 s1  }
0x63: {  	[bflag:$0x3] =	sbarrier.arrive $0xFFFF  }
0x64: {  	_ =	shalt  }

</sc_bundles>
